<compile_context>
chip_gen: v7x
topology: tpu7x:2x2x1
jax: 0.10.2.dev20260603
libtpu: 0.0.44.dev20260713+nightly
codegen_flags: <defaults>
</compile_context>

<pallas_src>
import functools

import jax
import jax.numpy as jnp
from jax import lax
from jax.experimental import pallas as pl
from jax.experimental.pallas import tpu as pltpu
from jax.experimental.pallas import tpu_sc as plsc

B, L, M, V, T, NT, H = 8, 16, 4, 256, 4, 4, 512
D = M * V + T * V
X2D = 2 * D


def _sc_gather(emb_dec, emb_term, idx):
    mesh = plsc.VectorSubcoreMesh(core_axis_name="c", subcore_axis_name="s")
    n_rows = L * B // 16

    @functools.partial(
        pl.kernel, mesh=mesh,
        out_type=[
            jax.ShapeDtypeStruct((L * B, M * V), jnp.float32),
            jax.ShapeDtypeStruct((L * B, T * V), jnp.float32),
        ],
        scratch_types=[
            pltpu.VMEM((n_rows,), jnp.int32),
            pltpu.VMEM((n_rows, M * V), jnp.float32),
            pltpu.SemaphoreType.DMA,
        ],
    )
    def gather_k(dec_hbm, term_hbm, idx_hbm, dec_out, term_out,
                 idx_v, rows_v, sem):
        wid = lax.axis_index("s") * 2 + lax.axis_index("c")
        base = (wid % 16) * n_rows
        pltpu.sync_copy(idx_hbm.at[pl.ds(base, n_rows)], idx_v)
        pltpu.async_copy(dec_hbm.at[idx_v], rows_v, sem).wait()
        pltpu.sync_copy(rows_v, dec_out.at[pl.ds(base, n_rows)])
        pltpu.async_copy(term_hbm.at[idx_v], rows_v, sem).wait()
        pltpu.sync_copy(rows_v, term_out.at[pl.ds(base, n_rows)])

    return gather_k(emb_dec, emb_term, idx)


def _fold_body(oh_ref, ged_ref, get_ref, w1_ref, w2_ref, out_ref,
               dsm_scr, tsm_scr, pc_scr):
    for src, dst, nseg in ((ged_ref, dsm_scr, M), (get_ref, tsm_scr, T)):
        v = src[...]
        m = jnp.max(v, axis=-1, keepdims=True)
        e = jnp.exp(v - m)
        for g in range(nseg):
            s = e[:, g * V:(g + 1) * V]
            dst[:, g * V:(g + 1) * V] = s / jnp.sum(s, axis=-1, keepdims=True)

    dn_all = dsm_scr[B:, :]
    tn_all = tsm_scr[B:, :]
    for k in range(NT):
        pc = (jnp.dot(dn_all, w1_ref[k * X2D + 1024:k * X2D + 2048, :],
                      preferred_element_type=jnp.float32) +
              jnp.dot(tn_all, w1_ref[k * X2D + 3072:k * X2D + 4096, :],
                      preferred_element_type=jnp.float32))
        pc_scr[k * (L - 1) * B:(k + 1) * (L - 1) * B, :] = pc

    def step(t, carry):
        state_dec, state_term = carry
        oh = oh_ref[pl.ds(t * B, B), :]
        h = jnp.zeros((B, H), jnp.float32)
        for k in range(NT):
            hk = (jnp.dot(state_dec, w1_ref[k * X2D:k * X2D + 1024, :],
                          preferred_element_type=jnp.float32) +
                  jnp.dot(state_term, w1_ref[k * X2D + 2048:k * X2D + 3072, :],
                          preferred_element_type=jnp.float32) +
                  pc_scr[pl.ds(k * (L - 1) * B + t * B, B), :])
            h = h + oh[:, k:k + 1] * hk
        h = jnp.maximum(h, 0.0)
        out = jnp.zeros((B, D), jnp.float32)
        for k in range(NT):
            ok = jnp.dot(h, w2_ref[k * H:(k + 1) * H, :],
                         preferred_element_type=jnp.float32)
            out = out + oh[:, k:k + 1] * ok
        m = jnp.max(out, axis=-1, keepdims=True)
        e = jnp.exp(out - m)
        parts = []
        for g in range(M + T):
            s = e[:, g * V:(g + 1) * V]
            parts.append(s / jnp.sum(s, axis=-1, keepdims=True))
        o = jnp.concatenate(parts, axis=-1)
        return o[:, :M * V], o[:, M * V:]

    state_dec, state_term = jax.lax.fori_loop(
        0, L - 1, step,
        (dsm_scr[0:B, :], tsm_scr[0:B, :]))

    parts = []
    for g in range(M):
        s = state_dec[:, g * V:(g + 1) * V]
        parts.append(s / jnp.sum(s, axis=-1, keepdims=True))
    out_ref[...] = jnp.concatenate(parts, axis=-1)


def kernel(input, positions, types, spans, emb_dec, emb_term, W1, W2):
    del positions, spans
    idx = input.T.reshape(L * B)
    ged, get = _sc_gather(emb_dec, emb_term, idx)
    oh = (types.T[:, :, None] == jnp.arange(NT)[None, None, :]).astype(
        jnp.float32).reshape((L - 1) * B, NT)

    final = pl.pallas_call(
        _fold_body,
        out_shape=jax.ShapeDtypeStruct((B, M * V), jnp.float32),
        scratch_shapes=[
            pltpu.VMEM((L * B, M * V), jnp.float32),
            pltpu.VMEM((L * B, T * V), jnp.float32),
            pltpu.VMEM((NT * (L - 1) * B, H), jnp.float32),
        ],
        compiler_params=pltpu.CompilerParams(
            vmem_limit_bytes=100 * 1024 * 1024,
        ),
    )(oh, ged, get,
      W1.reshape(NT * X2D, H), W2.reshape(NT * H, D))
    return final.reshape(B, M, V)

# --- scband reference (transcript-rebuilt; emitter-appended) ---
"""Pipeline reference for scband-compositional-learner-87230785782205 (READ-ONLY COPY).

The authoritative reference and input builder live on the scoring server;
editing this copy changes nothing except your own understanding.
"""

import jax, jax.numpy as jnp
import numpy as np

B, L, M, V, T, NT, VOC, H = 8, 16, 4, 256, 4, 4, 1000, 512
D = M * V + T * V
TEMP = 1.0


def setup_inputs(seed: int = 0):
    key = jax.random.key(seed)
    ks = jax.random.split(key, 8)
    inp = jax.random.randint(ks[0], (B, L), 0, VOC)
    positions = jnp.zeros((B, L - 1), dtype=jnp.int32)
    types = jax.random.randint(ks[1], (B, L - 1), 0, NT)
    spans = jnp.ones((B, L - 1), dtype=jnp.int32)
    emb_dec = jax.random.normal(ks[2], (VOC, M * V), dtype=jnp.float32) * 0.02
    emb_term = jax.random.normal(ks[3], (VOC, T * V), dtype=jnp.float32) * 0.02
    W1 = jax.random.normal(ks[4], (NT, 2 * D, H), dtype=jnp.float32) * (1.0 / np.sqrt(2 * D))
    W2 = jax.random.normal(ks[5], (NT, H, D), dtype=jnp.float32) * (1.0 / np.sqrt(H))
    return {"input": inp, "positions": positions, "types": types, "spans": spans,
            "emb_dec": emb_dec, "emb_term": emb_term, "W1": W1, "W2": W2}


def reference(input, positions, types, spans, emb_dec, emb_term, W1, W2):
    # initial decodings/terms from token embeddings, temperature softmax (gumbel-softmax, noise-free)
    dec = jax.nn.softmax(emb_dec[input].reshape(B, L, M, V) / TEMP, axis=-1)
    term = jax.nn.softmax(emb_term[input].reshape(B, L, T, V) / TEMP, axis=-1)

    def gather_pair(x, p):
        return jax.lax.dynamic_slice_in_dim(x, p, 2, axis=0)

    def splice(x, o, p):
        Lc = x.shape[0]
        idx = jnp.arange(Lc - 1)
        src = jnp.where(idx < p, idx, idx + 1)
        g = x[src]
        mask = (idx == p).reshape((Lc - 1,) + (1,) * (g.ndim - 1))
        return jnp.where(mask, o[None], g)

    for t in range(L - 1):
        Lcur = dec.shape[1]
        ps = jnp.minimum(positions[:, t], Lcur - 2)
        # gather span-2 constituents per batch element (ragged gather)
        pair_dec = jax.vmap(gather_pair)(dec, ps)    # [B,2,M,V]
        pair_term = jax.vmap(gather_pair)(term, ps)  # [B,2,T,V]
        x = jnp.concatenate([pair_dec.reshape(B, 2 * M * V), pair_term.reshape(B, 2 * T * V)], axis=-1)  # [B, 2D]
        tt = types[:, t]
        w1 = W1[tt]  # [B, 2D, H]
        w2 = W2[tt]  # [B, H, D]
        h = jax.nn.relu(jnp.einsum('bd,bdh->bh', x, w1))
        out = jnp.einsum('bh,bhd->bd', h, w2)
        out_dec = jax.nn.softmax(out[:, :M * V].reshape(B, M, V) / TEMP, axis=-1)
        out_term = jax.nn.softmax(out[:, M * V:].reshape(B, T, V) / TEMP, axis=-1)
        # splice composed constituent back in, shrinking length by 1 (ragged scatter)
        dec = jax.vmap(splice)(dec, out_dec, ps)
        term = jax.vmap(splice)(term, out_term, ps)
    final = dec[:, 0]  # [B, M, V]
    return final / jnp.sum(final, axis=-1, keepdims=True)

if __name__ == "__main__":
    import jax
    _d = setup_inputs()
    print(jax.jit(kernel)(*tuple(_d.values())))

</pallas_src>

<mosaic_0001>
#map = affine_map<(d0, d1) -> (0, 0)>
#map1 = affine_map<(d0, d1) -> (0)>
module attributes {stable_mosaic.version = 14 : i64} {
  func.func @gather_k(%arg0: i32, %arg1: i32, %arg2: memref<1000x1024xf32, #tpu.memory_space<hbm>>, %arg3: memref<1000x1024xf32, #tpu.memory_space<hbm>>, %arg4: memref<128xi32, #tpu.memory_space<hbm>>, %arg5: memref<128x1024xf32, #tpu.memory_space<hbm>>, %arg6: memref<128x1024xf32, #tpu.memory_space<hbm>>, %arg7: memref<8xi32, #tpu.memory_space<vmem>>, %arg8: memref<8x1024xf32, #tpu.memory_space<vmem>>, %arg9: memref<!tpu.dma_semaphore, #tpu.memory_space<semaphore_mem>>) attributes {dimension_semantics = [#tpu.dimension_semantics<core_parallel>, #tpu.dimension_semantics<subcore_parallel>], iteration_bounds = array<i64: 2, 16>, scalar_prefetch = 0 : i64, scratch_operands = 3 : i64, tpu.core_type = #tpu.core_type<sc_vector_subcore>, window_params = [{transform_indices = #map}, {transform_indices = #map}, {transform_indices = #map1}, {transform_indices = #map}, {transform_indices = #map}]} {
    %mul3A = arith.constant 2 : i32
    %mul3A_0 = arith.muli %arg1, %mul3A : i32
    %add3A = arith.addi %mul3A_0, %arg0 : i32
    %jit3A = arith.constant 16 : i32
    %eq3A = arith.constant 0 : i32
    %eq3A_1 = arith.cmpi eq, %jit3A, %eq3A : i32
    %jit3A_2 = arith.constant 1 : i32
    %select_n3A = arith.select %eq3A_1, %jit3A_2, %jit3A : i32
    %rem3A = arith.remsi %add3A, %select_n3A : i32
    %ne3A = arith.constant 0 : i32
    %ne3A_3 = arith.cmpi ne, %rem3A, %ne3A : i32
    %lt3A = arith.constant 0 : i32
    %lt3A_4 = arith.cmpi slt, %rem3A, %lt3A : i32
    %lt3A_5 = arith.constant 0 : i32
    %lt3A_6 = arith.cmpi slt, %select_n3A, %lt3A_5 : i32
    %ne3A_7 = arith.xori %lt3A_4, %lt3A_6 : i1
    %and3A = arith.andi %ne3A_7, %ne3A_3 : i1
    %add3A_8 = arith.addi %rem3A, %select_n3A : i32
    %select_n3A_9 = arith.select %and3A, %add3A_8, %rem3A : i32
    %mul3A_10 = arith.constant 8 : i32
    %mul3A_11 = arith.muli %select_n3A_9, %mul3A_10 : i32
    "tpu.region"() ({
      %run_scoped3A = tpu.sem_alloc : memref<!tpu.dma_semaphore, #tpu.memory_space<semaphore_mem>>
      %dma_start3A_22 = tpu.memref_slice %arg4[%mul3A_11] : memref<128xi32, #tpu.memory_space<hbm>> -> memref<8xi32, #tpu.memory_space<hbm>>
      %dma_start3A_23 = tpu.memref_slice %arg4[%mul3A_11] : memref<128xi32, #tpu.memory_space<hbm>> -> memref<8xi32, #tpu.memory_space<hbm>>
      tpu.enqueue_dma source(%dma_start3A_23 : memref<8xi32, #tpu.memory_space<hbm>>) target(%arg7 : memref<8xi32, #tpu.memory_space<vmem>>) target_semaphore(%run_scoped3A : memref<!tpu.dma_semaphore, #tpu.memory_space<semaphore_mem>>)
      %dma_wait3A_24 = tpu.memref_slice %arg4[%mul3A_11] : memref<128xi32, #tpu.memory_space<hbm>> -> memref<8xi32, #tpu.memory_space<hbm>>
      %dma_wait3A_25 = tpu.memref_slice %arg4[%mul3A_11] : memref<128xi32, #tpu.memory_space<hbm>> -> memref<8xi32, #tpu.memory_space<hbm>>
      tpu.wait_dma2 semaphore(%run_scoped3A : memref<!tpu.dma_semaphore, #tpu.memory_space<semaphore_mem>>) src(%dma_wait3A_25 : memref<8xi32, #tpu.memory_space<hbm>>) dst(%arg7 : memref<8xi32, #tpu.memory_space<vmem>>)
      tpu.yield
    }) : () -> ()
    %dma_start3A = arith.constant 0 : i32
    %dma_start3A_12 = arith.constant 0 : i32
    %dma_start3A_13 = tpu.memref_slice %arg2[%dma_start3A, %dma_start3A_12] : memref<1000x1024xf32, #tpu.memory_space<hbm>> -> memref<1000x1024xf32, #tpu.memory_space<hbm>>
    tpu.enqueue_indirect_dma source(%dma_start3A_13 : memref<1000x1024xf32, #tpu.memory_space<hbm>>) target(%arg8 : memref<8x1024xf32, #tpu.memory_space<vmem>>) offsets(%arg7 : memref<8xi32, #tpu.memory_space<vmem>>) semaphore(%arg9 : memref<!tpu.dma_semaphore, #tpu.memory_space<semaphore_mem>>)
    %dma_wait3A = arith.constant 0 : i32
    %dma_wait3A_14 = arith.constant 0 : i32
    %dma_wait3A_15 = tpu.memref_slice %arg2[%dma_wait3A, %dma_wait3A_14] : memref<1000x1024xf32, #tpu.memory_space<hbm>> -> memref<1000x1024xf32, #tpu.memory_space<hbm>>
    tpu.wait_indirect_dma semaphore(%arg9 : memref<!tpu.dma_semaphore, #tpu.memory_space<semaphore_mem>>) src(%dma_wait3A_15 : memref<1000x1024xf32, #tpu.memory_space<hbm>>) dst(%arg8 : memref<8x1024xf32, #tpu.memory_space<vmem>>)
    "tpu.region"() ({
      %run_scoped3A = tpu.sem_alloc : memref<!tpu.dma_semaphore, #tpu.memory_space<semaphore_mem>>
      %dma_start3A_22 = arith.constant 0 : i32
      %dma_start3A_23 = tpu.memref_slice %arg5[%mul3A_11, %dma_start3A_22] : memref<128x1024xf32, #tpu.memory_space<hbm>> -> memref<8x1024xf32, #tpu.memory_space<hbm>>
      %dma_start3A_24 = arith.constant 0 : i32
      %dma_start3A_25 = tpu.memref_slice %arg5[%mul3A_11, %dma_start3A_24] : memref<128x1024xf32, #tpu.memory_space<hbm>> -> memref<8x1024xf32, #tpu.memory_space<hbm>>
      tpu.enqueue_dma source(%arg8 : memref<8x1024xf32, #tpu.memory_space<vmem>>) target(%dma_start3A_25 : memref<8x1024xf32, #tpu.memory_space<hbm>>) target_semaphore(%run_scoped3A : memref<!tpu.dma_semaphore, #tpu.memory_space<semaphore_mem>>)
      %dma_wait3A_26 = arith.constant 0 : i32
      %dma_wait3A_27 = tpu.memref_slice %arg5[%mul3A_11, %dma_wait3A_26] : memref<128x1024xf32, #tpu.memory_space<hbm>> -> memref<8x1024xf32, #tpu.memory_space<hbm>>
      %dma_wait3A_28 = arith.constant 0 : i32
      %dma_wait3A_29 = tpu.memref_slice %arg5[%mul3A_11, %dma_wait3A_28] : memref<128x1024xf32, #tpu.memory_space<hbm>> -> memref<8x1024xf32, #tpu.memory_space<hbm>>
      tpu.wait_dma2 semaphore(%run_scoped3A : memref<!tpu.dma_semaphore, #tpu.memory_space<semaphore_mem>>) src(%arg8 : memref<8x1024xf32, #tpu.memory_space<vmem>>) dst(%dma_wait3A_29 : memref<8x1024xf32, #tpu.memory_space<hbm>>)
      tpu.yield
    }) : () -> ()
    %dma_start3A_16 = arith.constant 0 : i32
    %dma_start3A_17 = arith.constant 0 : i32
    %dma_start3A_18 = tpu.memref_slice %arg3[%dma_start3A_16, %dma_start3A_17] : memref<1000x1024xf32, #tpu.memory_space<hbm>> -> memref<1000x1024xf32, #tpu.memory_space<hbm>>
    tpu.enqueue_indirect_dma source(%dma_start3A_18 : memref<1000x1024xf32, #tpu.memory_space<hbm>>) target(%arg8 : memref<8x1024xf32, #tpu.memory_space<vmem>>) offsets(%arg7 : memref<8xi32, #tpu.memory_space<vmem>>) semaphore(%arg9 : memref<!tpu.dma_semaphore, #tpu.memory_space<semaphore_mem>>)
    %dma_wait3A_19 = arith.constant 0 : i32
    %dma_wait3A_20 = arith.constant 0 : i32
    %dma_wait3A_21 = tpu.memref_slice %arg3[%dma_wait3A_19, %dma_wait3A_20] : memref<1000x1024xf32, #tpu.memory_space<hbm>> -> memref<1000x1024xf32, #tpu.memory_space<hbm>>
    tpu.wait_indirect_dma semaphore(%arg9 : memref<!tpu.dma_semaphore, #tpu.memory_space<semaphore_mem>>) src(%dma_wait3A_21 : memref<1000x1024xf32, #tpu.memory_space<hbm>>) dst(%arg8 : memref<8x1024xf32, #tpu.memory_space<vmem>>)
    "tpu.region"() ({
      %run_scoped3A = tpu.sem_alloc : memref<!tpu.dma_semaphore, #tpu.memory_space<semaphore_mem>>
      %dma_start3A_22 = arith.constant 0 : i32
      %dma_start3A_23 = tpu.memref_slice %arg6[%mul3A_11, %dma_start3A_22] : memref<128x1024xf32, #tpu.memory_space<hbm>> -> memref<8x1024xf32, #tpu.memory_space<hbm>>
      %dma_start3A_24 = arith.constant 0 : i32
      %dma_start3A_25 = tpu.memref_slice %arg6[%mul3A_11, %dma_start3A_24] : memref<128x1024xf32, #tpu.memory_space<hbm>> -> memref<8x1024xf32, #tpu.memory_space<hbm>>
      tpu.enqueue_dma source(%arg8 : memref<8x1024xf32, #tpu.memory_space<vmem>>) target(%dma_start3A_25 : memref<8x1024xf32, #tpu.memory_space<hbm>>) target_semaphore(%run_scoped3A : memref<!tpu.dma_semaphore, #tpu.memory_space<semaphore_mem>>)
      %dma_wait3A_26 = arith.constant 0 : i32
      %dma_wait3A_27 = tpu.memref_slice %arg6[%mul3A_11, %dma_wait3A_26] : memref<128x1024xf32, #tpu.memory_space<hbm>> -> memref<8x1024xf32, #tpu.memory_space<hbm>>
      %dma_wait3A_28 = arith.constant 0 : i32
      %dma_wait3A_29 = tpu.memref_slice %arg6[%mul3A_11, %dma_wait3A_28] : memref<128x1024xf32, #tpu.memory_space<hbm>> -> memref<8x1024xf32, #tpu.memory_space<hbm>>
      tpu.wait_dma2 semaphore(%run_scoped3A : memref<!tpu.dma_semaphore, #tpu.memory_space<semaphore_mem>>) src(%arg8 : memref<8x1024xf32, #tpu.memory_space<vmem>>) dst(%dma_wait3A_29 : memref<8x1024xf32, #tpu.memory_space<hbm>>)
      tpu.yield
    }) : () -> ()
    return
  }
}

module attributes {stable_mosaic.version = 14 : i64} {
  func.func @_fold_body(%arg0: memref<120x4xf32, #tpu.memory_space<vmem>>, %arg1: memref<128x1024xf32, #tpu.memory_space<vmem>>, %arg2: memref<128x1024xf32, #tpu.memory_space<vmem>>, %arg3: memref<16384x512xf32, #tpu.memory_space<vmem>>, %arg4: memref<2048x2048xf32, #tpu.memory_space<vmem>>, %arg5: memref<8x1024xf32, #tpu.memory_space<vmem>>, %arg6: memref<128x1024xf32, #tpu.memory_space<vmem>>, %arg7: memref<128x1024xf32, #tpu.memory_space<vmem>>, %arg8: memref<480x512xf32, #tpu.memory_space<vmem>>) attributes {dimension_semantics = [], scalar_prefetch = 0 : i64, scratch_operands = 3 : i64, tpu.core_type = #tpu.core_type<tc>} {
    %get3A = arith.constant 0 : index
    %get3A_0 = arith.constant 0 : index
    %get3A_1 = vector.load %arg1[%get3A, %get3A_0] : memref<128x1024xf32, #tpu.memory_space<vmem>>, vector<128x1024xf32>
    %reduce_max3A = arith.constant dense<0xFF800000> : vector<128xf32>
    %reduce_max3A_2 = vector.multi_reduction <maximumf>, %get3A_1, %reduce_max3A [1] : vector<128x1024xf32> to vector<128xf32>
    %broadcast_in_dim3A = vector.shape_cast %reduce_max3A_2 : vector<128xf32> to vector<128x1xf32>
    %sub3A = vector.broadcast %broadcast_in_dim3A : vector<128x1xf32> to vector<128x1024xf32>
    %sub3A_3 = arith.subf %get3A_1, %sub3A : vector<128x1024xf32>
    %exp3A = math.exp %sub3A_3 : vector<128x1024xf32>
    %slice3A = vector.extract_strided_slice %exp3A {offsets = [0, 0], sizes = [128, 256], strides = [1, 1]} : vector<128x1024xf32> to vector<128x256xf32>
    %reduce_sum3A = arith.constant dense<0.000000e+00> : vector<128xf32>
    %reduce_sum3A_4 = vector.multi_reduction <add>, %slice3A, %reduce_sum3A [1] : vector<128x256xf32> to vector<128xf32>
    %broadcast_in_dim3A_5 = vector.shape_cast %reduce_sum3A_4 : vector<128xf32> to vector<128x1xf32>
    %div3A = vector.broadcast %broadcast_in_dim3A_5 : vector<128x1xf32> to vector<128x256xf32>
    %div3A_6 = arith.divf %slice3A, %div3A : vector<128x256xf32>
    %swap3A = arith.constant 0 : index
    %swap3A_7 = arith.constant 0 : index
    %swap3A_8 = vector.load %arg6[%swap3A, %swap3A_7] : memref<128x1024xf32, #tpu.memory_space<vmem>>, vector<128x256xf32>
    tpu.vector_store %arg6[%swap3A, %swap3A_7], %div3A_6 {strides = array<i32>} : memref<128x1024xf32, #tpu.memory_space<vmem>>, vector<128x256xf32>,
    %slice3A_9 = vector.extract_strided_slice %exp3A {offsets = [0, 256], sizes = [128, 256], strides = [1, 1]} : vector<128x1024xf32> to vector<128x256xf32>
    %reduce_sum3A_10 = arith.constant dense<0.000000e+00> : vector<128xf32>
    %reduce_sum3A_11 = vector.multi_reduction <add>, %slice3A_9, %reduce_sum3A_10 [1] : vector<128x256xf32> to vector<128xf32>
    %broadcast_in_dim3A_12 = vector.shape_cast %reduce_sum3A_11 : vector<128xf32> to vector<128x1xf32>
    %div3A_13 = vector.broadcast %broadcast_in_dim3A_12 : vector<128x1xf32> to vector<128x256xf32>
    %div3A_14 = arith.divf %slice3A_9, %div3A_13 : vector<128x256xf32>
    %swap3A_15 = arith.constant 0 : index
    %swap3A_16 = arith.constant 256 : index
    %swap3A_17 = vector.load %arg6[%swap3A_15, %swap3A_16] : memref<128x1024xf32, #tpu.memory_space<vmem>>, vector<128x256xf32>
    tpu.vector_store %arg6[%swap3A_15, %swap3A_16], %div3A_14 {strides = array<i32>} : memref<128x1024xf32, #tpu.memory_space<vmem>>, vector<128x256xf32>,
    %slice3A_18 = vector.extract_strided_slice %exp3A {offsets = [0, 512], sizes = [128, 256], strides = [1, 1]} : vector<128x1024xf32> to vector<128x256xf32>
    %reduce_sum3A_19 = arith.constant dense<0.000000e+00> : vector<128xf32>
    %reduce_sum3A_20 = vector.multi_reduction <add>, %slice3A_18, %reduce_sum3A_19 [1] : vector<128x256xf32> to vector<128xf32>
    %broadcast_in_dim3A_21 = vector.shape_cast %reduce_sum3A_20 : vector<128xf32> to vector<128x1xf32>
    %div3A_22 = vector.broadcast %broadcast_in_dim3A_21 : vector<128x1xf32> to vector<128x256xf32>
    %div3A_23 = arith.divf %slice3A_18, %div3A_22 : vector<128x256xf32>
    %swap3A_24 = arith.constant 0 : index
    %swap3A_25 = arith.constant 512 : index
    %swap3A_26 = vector.load %arg6[%swap3A_24, %swap3A_25] : memref<128x1024xf32, #tpu.memory_space<vmem>>, vector<128x256xf32>
    tpu.vector_store %arg6[%swap3A_24, %swap3A_25], %div3A_23 {strides = array<i32>} : memref<128x1024xf32, #tpu.memory_space<vmem>>, vector<128x256xf32>,
    %slice3A_27 = vector.extract_strided_slice %exp3A {offsets = [0, 768], sizes = [128, 256], strides = [1, 1]} : vector<128x1024xf32> to vector<128x256xf32>
    %reduce_sum3A_28 = arith.constant dense<0.000000e+00> : vector<128xf32>
    %reduce_sum3A_29 = vector.multi_reduction <add>, %slice3A_27, %reduce_sum3A_28 [1] : vector<128x256xf32> to vector<128xf32>
    %broadcast_in_dim3A_30 = vector.shape_cast %reduce_sum3A_29 : vector<128xf32> to vector<128x1xf32>
    %div3A_31 = vector.broadcast %broadcast_in_dim3A_30 : vector<128x1xf32> to vector<128x256xf32>
    %div3A_32 = arith.divf %slice3A_27, %div3A_31 : vector<128x256xf32>
    %swap3A_33 = arith.constant 0 : index
    %swap3A_34 = arith.constant 768 : index
    %swap3A_35 = vector.load %arg6[%swap3A_33, %swap3A_34] : memref<128x1024xf32, #tpu.memory_space<vmem>>, vector<128x256xf32>
    tpu.vector_store %arg6[%swap3A_33, %swap3A_34], %div3A_32 {strides = array<i32>} : memref<128x1024xf32, #tpu.memory_space<vmem>>, vector<128x256xf32>,
    %get3A_36 = arith.constant 0 : index
    %get3A_37 = arith.constant 0 : index
    %get3A_38 = vector.load %arg2[%get3A_36, %get3A_37] : memref<128x1024xf32, #tpu.memory_space<vmem>>, vector<128x1024xf32>
    %reduce_max3A_39 = arith.constant dense<0xFF800000> : vector<128xf32>
    %reduce_max3A_40 = vector.multi_reduction <maximumf>, %get3A_38, %reduce_max3A_39 [1] : vector<128x1024xf32> to vector<128xf32>
    %broadcast_in_dim3A_41 = vector.shape_cast %reduce_max3A_40 : vector<128xf32> to vector<128x1xf32>
    %sub3A_42 = vector.broadcast %broadcast_in_dim3A_41 : vector<128x1xf32> to vector<128x1024xf32>
    %sub3A_43 = arith.subf %get3A_38, %sub3A_42 : vector<128x1024xf32>
    %exp3A_44 = math.exp %sub3A_43 : vector<128x1024xf32>
    %slice3A_45 = vector.extract_strided_slice %exp3A_44 {offsets = [0, 0], sizes = [128, 256], strides = [1, 1]} : vector<128x1024xf32> to vector<128x256xf32>
    %reduce_sum3A_46 = arith.constant dense<0.000000e+00> : vector<128xf32>
    %reduce_sum3A_47 = vector.multi_reduction <add>, %slice3A_45, %reduce_sum3A_46 [1] : vector<128x256xf32> to vector<128xf32>
    %broadcast_in_dim3A_48 = vector.shape_cast %reduce_sum3A_47 : vector<128xf32> to vector<128x1xf32>
    %div3A_49 = vector.broadcast %broadcast_in_dim3A_48 : vector<128x1xf32> to vector<128x256xf32>
    %div3A_50 = arith.divf %slice3A_45, %div3A_49 : vector<128x256xf32>
    %swap3A_51 = arith.constant 0 : index
    %swap3A_52 = arith.constant 0 : index
    %swap3A_53 = vector.load %arg7[%swap3A_51, %swap3A_52] : memref<128x1024xf32, #tpu.memory_space<vmem>>, vector<128x256xf32>
    tpu.vector_store %arg7[%swap3A_51, %swap3A_52], %div3A_50 {strides = array<i32>} : memref<128x1024xf32, #tpu.memory_space<vmem>>, vector<128x256xf32>,
    %slice3A_54 = vector.extract_strided_slice %exp3A_44 {offsets = [0, 256], sizes = [128, 256], strides = [1, 1]} : vector<128x1024xf32> to vector<128x256xf32>
    %reduce_sum3A_55 = arith.constant dense<0.000000e+00> : vector<128xf32>
    %reduce_sum3A_56 = vector.multi_reduction <add>, %slice3A_54, %reduce_sum3A_55 [1] : vector<128x256xf32> to vector<128xf32>
    %broadcast_in_dim3A_57 = vector.shape_cast %reduce_sum3A_56 : vector<128xf32> to vector<128x1xf32>
    %div3A_58 = vector.broadcast %broadcast_in_dim3A_57 : vector<128x1xf32> to vector<128x256xf32>
    %div3A_59 = arith.divf %slice3A_54, %div3A_58 : vector<128x256xf32>
    %swap3A_60 = arith.constant 0 : index
    %swap3A_61 = arith.constant 256 : index
    %swap3A_62 = vector.load %arg7[%swap3A_60, %swap3A_61] : memref<128x1024xf32, #tpu.memory_space<vmem>>, vector<128x256xf32>
    tpu.vector_store %arg7[%swap3A_60, %swap3A_61], %div3A_59 {strides = array<i32>} : memref<128x1024xf32, #tpu.memory_space<vmem>>, vector<128x256xf32>,
    %slice3A_63 = vector.extract_strided_slice %exp3A_44 {offsets = [0, 512], sizes = [128, 256], strides = [1, 1]} : vector<128x1024xf32> to vector<128x256xf32>
    %reduce_sum3A_64 = arith.constant dense<0.000000e+00> : vector<128xf32>
    %reduce_sum3A_65 = vector.multi_reduction <add>, %slice3A_63, %reduce_sum3A_64 [1] : vector<128x256xf32> to vector<128xf32>
    %broadcast_in_dim3A_66 = vector.shape_cast %reduce_sum3A_65 : vector<128xf32> to vector<128x1xf32>
    %div3A_67 = vector.broadcast %broadcast_in_dim3A_66 : vector<128x1xf32> to vector<128x256xf32>
    %div3A_68 = arith.divf %slice3A_63, %div3A_67 : vector<128x256xf32>
    %swap3A_69 = arith.constant 0 : index
    %swap3A_70 = arith.constant 512 : index
    %swap3A_71 = vector.load %arg7[%swap3A_69, %swap3A_70] : memref<128x1024xf32, #tpu.memory_space<vmem>>, vector<128x256xf32>
    tpu.vector_store %arg7[%swap3A_69, %swap3A_70], %div3A_68 {strides = array<i32>} : memref<128x1024xf32, #tpu.memory_space<vmem>>, vector<128x256xf32>,
    %slice3A_72 = vector.extract_strided_slice %exp3A_44 {offsets = [0, 768], sizes = [128, 256], strides = [1, 1]} : vector<128x1024xf32> to vector<128x256xf32>
    %reduce_sum3A_73 = arith.constant dense<0.000000e+00> : vector<128xf32>
    %reduce_sum3A_74 = vector.multi_reduction <add>, %slice3A_72, %reduce_sum3A_73 [1] : vector<128x256xf32> to vector<128xf32>
    %broadcast_in_dim3A_75 = vector.shape_cast %reduce_sum3A_74 : vector<128xf32> to vector<128x1xf32>
    %div3A_76 = vector.broadcast %broadcast_in_dim3A_75 : vector<128x1xf32> to vector<128x256xf32>
    %div3A_77 = arith.divf %slice3A_72, %div3A_76 : vector<128x256xf32>
    %swap3A_78 = arith.constant 0 : index
    %swap3A_79 = arith.constant 768 : index
    %swap3A_80 = vector.load %arg7[%swap3A_78, %swap3A_79] : memref<128x1024xf32, #tpu.memory_space<vmem>>, vector<128x256xf32>
    tpu.vector_store %arg7[%swap3A_78, %swap3A_79], %div3A_77 {strides = array<i32>} : memref<128x1024xf32, #tpu.memory_space<vmem>>, vector<128x256xf32>,
    %get3A_81 = arith.constant 8 : index
    %get3A_82 = arith.constant 0 : index
    %get3A_83 = vector.load %arg6[%get3A_81, %get3A_82] : memref<128x1024xf32, #tpu.memory_space<vmem>>, vector<120x1024xf32>
    %get3A_84 = arith.constant 8 : index
    %get3A_85 = arith.constant 0 : index
    %get3A_86 = vector.load %arg7[%get3A_84, %get3A_85] : memref<128x1024xf32, #tpu.memory_space<vmem>>, vector<120x1024xf32>
    %get3A_87 = arith.constant 1024 : index
    %get3A_88 = arith.constant 0 : index
    %get3A_89 = vector.load %arg3[%get3A_87, %get3A_88] : memref<16384x512xf32, #tpu.memory_space<vmem>>, vector<1024x512xf32>
    %dot_general3A = arith.constant dense<0.000000e+00> : vector<120x512xf32>
    %dot_general3A_90 = tpu.matmul %get3A_83, %get3A_89, %dot_general3A {dimension_numbers = #tpu.dot_dimension_numbers<[1], [0], [0], [1], [0, 0, 1, 1], [], []>, transpose_lhs_hint = false} : vector<120x1024xf32>, vector<1024x512xf32>, vector<120x512xf32> -> vector<120x512xf32>
    %get3A_91 = arith.constant 3072 : index
    %get3A_92 = arith.constant 0 : index
    %get3A_93 = vector.load %arg3[%get3A_91, %get3A_92] : memref<16384x512xf32, #tpu.memory_space<vmem>>, vector<1024x512xf32>
    %dot_general3A_94 = arith.constant dense<0.000000e+00> : vector<120x512xf32>
    %dot_general3A_95 = tpu.matmul %get3A_86, %get3A_93, %dot_general3A_94 {dimension_numbers = #tpu.dot_dimension_numbers<[1], [0], [0], [1], [0, 0, 1, 1], [], []>, transpose_lhs_hint = false} : vector<120x1024xf32>, vector<1024x512xf32>, vector<120x512xf32> -> vector<120x512xf32>
    %add3A = arith.addf %dot_general3A_90, %dot_general3A_95 : vector<120x512xf32>
    %swap3A_96 = arith.constant 0 : index
    %swap3A_97 = arith.constant 0 : index
    %swap3A_98 = vector.load %arg8[%swap3A_96, %swap3A_97] : memref<480x512xf32, #tpu.memory_space<vmem>>, vector<120x512xf32>
    tpu.vector_store %arg8[%swap3A_96, %swap3A_97], %add3A {strides = array<i32>} : memref<480x512xf32, #tpu.memory_space<vmem>>, vector<120x512xf32>,
    %get3A_99 = arith.constant 5120 : index
    %get3A_100 = arith.constant 0 : index
    %get3A_101 = vector.load %arg3[%get3A_99, %get3A_100] : memref<16384x512xf32, #tpu.memory_space<vmem>>, vector<1024x512xf32>
    %dot_general3A_102 = arith.constant dense<0.000000e+00> : vector<120x512xf32>
    %dot_general3A_103 = tpu.matmul %get3A_83, %get3A_101, %dot_general3A_102 {dimension_numbers = #tpu.dot_dimension_numbers<[1], [0], [0], [1], [0, 0, 1, 1], [], []>, transpose_lhs_hint = false} : vector<120x1024xf32>, vector<1024x512xf32>, vector<120x512xf32> -> vector<120x512xf32>
    %get3A_104 = arith.constant 7168 : index
    %get3A_105 = arith.constant 0 : index
    %get3A_106 = vector.load %arg3[%get3A_104, %get3A_105] : memref<16384x512xf32, #tpu.memory_space<vmem>>, vector<1024x512xf32>
    %dot_general3A_107 = arith.constant dense<0.000000e+00> : vector<120x512xf32>
    %dot_general3A_108 = tpu.matmul %get3A_86, %get3A_106, %dot_general3A_107 {dimension_numbers = #tpu.dot_dimension_numbers<[1], [0], [0], [1], [0, 0, 1, 1], [], []>, transpose_lhs_hint = false} : vector<120x1024xf32>, vector<1024x512xf32>, vector<120x512xf32> -> vector<120x512xf32>
    %add3A_109 = arith.addf %dot_general3A_103, %dot_general3A_108 : vector<120x512xf32>
    %swap3A_110 = arith.constant 120 : index
    %swap3A_111 = arith.constant 0 : index
    %swap3A_112 = vector.load %arg8[%swap3A_110, %swap3A_111] : memref<480x512xf32, #tpu.memory_space<vmem>>, vector<120x512xf32>
    tpu.vector_store %arg8[%swap3A_110, %swap3A_111], %add3A_109 {strides = array<i32>} : memref<480x512xf32, #tpu.memory_space<vmem>>, vector<120x512xf32>,
    %get3A_113 = arith.constant 9216 : index
    %get3A_114 = arith.constant 0 : index
    %get3A_115 = vector.load %arg3[%get3A_113, %get3A_114] : memref<16384x512xf32, #tpu.memory_space<vmem>>, vector<1024x512xf32>
    %dot_general3A_116 = arith.constant dense<0.000000e+00> : vector<120x512xf32>
    %dot_general3A_117 = tpu.matmul %get3A_83, %get3A_115, %dot_general3A_116 {dimension_numbers = #tpu.dot_dimension_numbers<[1], [0], [0], [1], [0, 0, 1, 1], [], []>, transpose_lhs_hint = false} : vector<120x1024xf32>, vector<1024x512xf32>, vector<120x512xf32> -> vector<120x512xf32>
    %get3A_118 = arith.constant 11264 : index
    %get3A_119 = arith.constant 0 : index
    %get3A_120 = vector.load %arg3[%get3A_118, %get3A_119] : memref<16384x512xf32, #tpu.memory_space<vmem>>, vector<1024x512xf32>
    %dot_general3A_121 = arith.constant dense<0.000000e+00> : vector<120x512xf32>
    %dot_general3A_122 = tpu.matmul %get3A_86, %get3A_120, %dot_general3A_121 {dimension_numbers = #tpu.dot_dimension_numbers<[1], [0], [0], [1], [0, 0, 1, 1], [], []>, transpose_lhs_hint = false} : vector<120x1024xf32>, vector<1024x512xf32>, vector<120x512xf32> -> vector<120x512xf32>
    %add3A_123 = arith.addf %dot_general3A_117, %dot_general3A_122 : vector<120x512xf32>
    %swap3A_124 = arith.constant 240 : index
    %swap3A_125 = arith.constant 0 : index
    %swap3A_126 = vector.load %arg8[%swap3A_124, %swap3A_125] : memref<480x512xf32, #tpu.memory_space<vmem>>, vector<120x512xf32>
    tpu.vector_store %arg8[%swap3A_124, %swap3A_125], %add3A_123 {strides = array<i32>} : memref<480x512xf32, #tpu.memory_space<vmem>>, vector<120x512xf32>,
    %get3A_127 = arith.constant 13312 : index
    %get3A_128 = arith.constant 0 : index
    %get3A_129 = vector.load %arg3[%get3A_127, %get3A_128] : memref<16384x512xf32, #tpu.memory_space<vmem>>, vector<1024x512xf32>
    %dot_general3A_130 = arith.constant dense<0.000000e+00> : vector<120x512xf32>
    %dot_general3A_131 = tpu.matmul %get3A_83, %get3A_129, %dot_general3A_130 {dimension_numbers = #tpu.dot_dimension_numbers<[1], [0], [0], [1], [0, 0, 1, 1], [], []>, transpose_lhs_hint = false} : vector<120x1024xf32>, vector<1024x512xf32>, vector<120x512xf32> -> vector<120x512xf32>
    %get3A_132 = arith.constant 15360 : index
    %get3A_133 = arith.constant 0 : index
    %get3A_134 = vector.load %arg3[%get3A_132, %get3A_133] : memref<16384x512xf32, #tpu.memory_space<vmem>>, vector<1024x512xf32>
    %dot_general3A_135 = arith.constant dense<0.000000e+00> : vector<120x512xf32>
    %dot_general3A_136 = tpu.matmul %get3A_86, %get3A_134, %dot_general3A_135 {dimension_numbers = #tpu.dot_dimension_numbers<[1], [0], [0], [1], [0, 0, 1, 1], [], []>, transpose_lhs_hint = false} : vector<120x1024xf32>, vector<1024x512xf32>, vector<120x512xf32> -> vector<120x512xf32>
    %add3A_137 = arith.addf %dot_general3A_131, %dot_general3A_136 : vector<120x512xf32>
    %swap3A_138 = arith.constant 360 : index
    %swap3A_139 = arith.constant 0 : index
    %swap3A_140 = vector.load %arg8[%swap3A_138, %swap3A_139] : memref<480x512xf32, #tpu.memory_space<vmem>>, vector<120x512xf32>
    tpu.vector_store %arg8[%swap3A_138, %swap3A_139], %add3A_137 {strides = array<i32>} : memref<480x512xf32, #tpu.memory_space<vmem>>, vector<120x512xf32>,
    %get3A_141 = arith.constant 0 : index
    %get3A_142 = arith.constant 0 : index
    %get3A_143 = vector.load %arg6[%get3A_141, %get3A_142] : memref<128x1024xf32, #tpu.memory_space<vmem>>, vector<8x1024xf32>
    %get3A_144 = arith.constant 0 : index
    %get3A_145 = arith.constant 0 : index
    %get3A_146 = vector.load %arg7[%get3A_144, %get3A_145] : memref<128x1024xf32, #tpu.memory_space<vmem>>, vector<8x1024xf32>
    %scan3A = arith.constant 0 : i32
    %scan3A_147 = arith.constant 15 : i32
    %scan3A_148 = arith.addi %scan3A, %scan3A_147 : i32
    %scan3A_149 = arith.constant 1 : i32
    %scan3A_150:2 = scf.for %scan3A_179 = %scan3A to %scan3A_148 step %scan3A_149 iter_args(%scan3A_180 = %get3A_143, %scan3A_181 = %get3A_146) -> (vector<8x1024xf32>, vector<8x1024xf32>)  : i32 {
      %mul3A = arith.constant 8 : i32
      %mul3A_182 = arith.muli %scan3A_179, %mul3A : i32
      %get3A_183 = arith.index_cast %mul3A_182 : i32 to index
      %get3A_184 = arith.constant 0 : index
      %get3A_185 = vector.load %arg0[%get3A_183, %get3A_184] : memref<120x4xf32, #tpu.memory_space<vmem>>, vector<8x4xf32>
      %broadcast_in_dim3A_186 = arith.constant 0.000000e+00 : f32
      %broadcast_in_dim3A_187 = vector.broadcast %broadcast_in_dim3A_186 : f32 to vector<8x512xf32>
      %get3A_188 = arith.constant 0 : index
      %get3A_189 = arith.constant 0 : index
      %get3A_190 = vector.load %arg3[%get3A_188, %get3A_189] : memref<16384x512xf32, #tpu.memory_space<vmem>>, vector<1024x512xf32>
      %dot_general3A_191 = arith.constant dense<0.000000e+00> : vector<8x512xf32>
      %dot_general3A_192 = tpu.matmul %scan3A_180, %get3A_190, %dot_general3A_191 {dimension_numbers = #tpu.dot_dimension_numbers<[1], [0], [0], [1], [0, 0, 1, 1], [], []>, transpose_lhs_hint = false} : vector<8x1024xf32>, vector<1024x512xf32>, vector<8x512xf32> -> vector<8x512xf32>
      %get3A_193 = arith.constant 2048 : index
      %get3A_194 = arith.constant 0 : index
      %get3A_195 = vector.load %arg3[%get3A_193, %get3A_194] : memref<16384x512xf32, #tpu.memory_space<vmem>>, vector<1024x512xf32>
      %dot_general3A_196 = arith.constant dense<0.000000e+00> : vector<8x512xf32>
      %dot_general3A_197 = tpu.matmul %scan3A_181, %get3A_195, %dot_general3A_196 {dimension_numbers = #tpu.dot_dimension_numbers<[1], [0], [0], [1], [0, 0, 1, 1], [], []>, transpose_lhs_hint = false} : vector<8x1024xf32>, vector<1024x512xf32>, vector<8x512xf32> -> vector<8x512xf32>
      %add3A_198 = arith.addf %dot_general3A_192, %dot_general3A_197 : vector<8x512xf32>
      %mul3A_199 = arith.constant 8 : i32
      %mul3A_200 = arith.muli %scan3A_179, %mul3A_199 : i32
      %add3A_201 = arith.constant 0 : i32
      %add3A_202 = arith.addi %add3A_201, %mul3A_200 : i32
      %get3A_203 = arith.index_cast %add3A_202 : i32 to index
      %get3A_204 = arith.constant 0 : index
      %get3A_205 = vector.load %arg8[%get3A_203, %get3A_204] : memref<480x512xf32, #tpu.memory_space<vmem>>, vector<8x512xf32>
      %add3A_206 = arith.addf %add3A_198, %get3A_205 : vector<8x512xf32>
      %slice3A_207 = vector.extract_strided_slice %get3A_185 {offsets = [0, 0], sizes = [8, 1], strides = [1, 1]} : vector<8x4xf32> to vector<8x1xf32>
      %mul3A_208 = vector.broadcast %slice3A_207 : vector<8x1xf32> to vector<8x512xf32>
      %mul3A_209 = arith.mulf %mul3A_208, %add3A_206 : vector<8x512xf32>
      %add3A_210 = arith.addf %broadcast_in_dim3A_187, %mul3A_209 : vector<8x512xf32>
      %get3A_211 = arith.constant 4096 : index
      %get3A_212 = arith.constant 0 : index
      %get3A_213 = vector.load %arg3[%get3A_211, %get3A_212] : memref<16384x512xf32, #tpu.memory_space<vmem>>, vector<1024x512xf32>
      %dot_general3A_214 = arith.constant dense<0.000000e+00> : vector<8x512xf32>
      %dot_general3A_215 = tpu.matmul %scan3A_180, %get3A_213, %dot_general3A_214 {dimension_numbers = #tpu.dot_dimension_numbers<[1], [0], [0], [1], [0, 0, 1, 1], [], []>, transpose_lhs_hint = false} : vector<8x1024xf32>, vector<1024x512xf32>, vector<8x512xf32> -> vector<8x512xf32>
      %get3A_216 = arith.constant 6144 : index
      %get3A_217 = arith.constant 0 : index
      %get3A_218 = vector.load %arg3[%get3A_216, %get3A_217] : memref<16384x512xf32, #tpu.memory_space<vmem>>, vector<1024x512xf32>
      %dot_general3A_219 = arith.constant dense<0.000000e+00> : vector<8x512xf32>
      %dot_general3A_220 = tpu.matmul %scan3A_181, %get3A_218, %dot_general3A_219 {dimension_numbers = #tpu.dot_dimension_numbers<[1], [0], [0], [1], [0, 0, 1, 1], [], []>, transpose_lhs_hint = false} : vector<8x1024xf32>, vector<1024x512xf32>, vector<8x512xf32> -> vector<8x512xf32>
      %add3A_221 = arith.addf %dot_general3A_215, %dot_general3A_220 : vector<8x512xf32>
      %mul3A_222 = arith.constant 8 : i32
      %mul3A_223 = arith.muli %scan3A_179, %mul3A_222 : i32
      %add3A_224 = arith.constant 120 : i32
      %add3A_225 = arith.addi %add3A_224, %mul3A_223 : i32
      %get3A_226 = arith.index_cast %add3A_225 : i32 to index
      %get3A_227 = arith.constant 0 : index
      %get3A_228 = vector.load %arg8[%get3A_226, %get3A_227] : memref<480x512xf32, #tpu.memory_space<vmem>>, vector<8x512xf32>
      %add3A_229 = arith.addf %add3A_221, %get3A_228 : vector<8x512xf32>
      %slice3A_230 = vector.extract_strided_slice %get3A_185 {offsets = [0, 1], sizes = [8, 1], strides = [1, 1]} : vector<8x4xf32> to vector<8x1xf32>
      %mul3A_231 = vector.broadcast %slice3A_230 : vector<8x1xf32> to vector<8x512xf32>
      %mul3A_232 = arith.mulf %mul3A_231, %add3A_229 : vector<8x512xf32>
      %add3A_233 = arith.addf %add3A_210, %mul3A_232 : vector<8x512xf32>
      %get3A_234 = arith.constant 8192 : index
      %get3A_235 = arith.constant 0 : index
      %get3A_236 = vector.load %arg3[%get3A_234, %get3A_235] : memref<16384x512xf32, #tpu.memory_space<vmem>>, vector<1024x512xf32>
      %dot_general3A_237 = arith.constant dense<0.000000e+00> : vector<8x512xf32>
      %dot_general3A_238 = tpu.matmul %scan3A_180, %get3A_236, %dot_general3A_237 {dimension_numbers = #tpu.dot_dimension_numbers<[1], [0], [0], [1], [0, 0, 1, 1], [], []>, transpose_lhs_hint = false} : vector<8x1024xf32>, vector<1024x512xf32>, vector<8x512xf32> -> vector<8x512xf32>
      %get3A_239 = arith.constant 10240 : index
      %get3A_240 = arith.constant 0 : index
      %get3A_241 = vector.load %arg3[%get3A_239, %get3A_240] : memref<16384x512xf32, #tpu.memory_space<vmem>>, vector<1024x512xf32>
      %dot_general3A_242 = arith.constant dense<0.000000e+00> : vector<8x512xf32>
      %dot_general3A_243 = tpu.matmul %scan3A_181, %get3A_241, %dot_general3A_242 {dimension_numbers = #tpu.dot_dimension_numbers<[1], [0], [0], [1], [0, 0, 1, 1], [], []>, transpose_lhs_hint = false} : vector<8x1024xf32>, vector<1024x512xf32>, vector<8x512xf32> -> vector<8x512xf32>
      %add3A_244 = arith.addf %dot_general3A_238, %dot_general3A_243 : vector<8x512xf32>
      %mul3A_245 = arith.constant 8 : i32
      %mul3A_246 = arith.muli %scan3A_179, %mul3A_245 : i32
      %add3A_247 = arith.constant 240 : i32
      %add3A_248 = arith.addi %add3A_247, %mul3A_246 : i32
      %get3A_249 = arith.index_cast %add3A_248 : i32 to index
      %get3A_250 = arith.constant 0 : index
      %get3A_251 = vector.load %arg8[%get3A_249, %get3A_250] : memref<480x512xf32, #tpu.memory_space<vmem>>, vector<8x512xf32>
      %add3A_252 = arith.addf %add3A_244, %get3A_251 : vector<8x512xf32>
      %slice3A_253 = vector.extract_strided_slice %get3A_185 {offsets = [0, 2], sizes = [8, 1], strides = [1, 1]} : vector<8x4xf32> to vector<8x1xf32>
      %mul3A_254 = vector.broadcast %slice3A_253 : vector<8x1xf32> to vector<8x512xf32>
      %mul3A_255 = arith.mulf %mul3A_254, %add3A_252 : vector<8x512xf32>
      %add3A_256 = arith.addf %add3A_233, %mul3A_255 : vector<8x512xf32>
      %get3A_257 = arith.constant 12288 : index
      %get3A_258 = arith.constant 0 : index
      %get3A_259 = vector.load %arg3[%get3A_257, %get3A_258] : memref<16384x512xf32, #tpu.memory_space<vmem>>, vector<1024x512xf32>
      %dot_general3A_260 = arith.constant dense<0.000000e+00> : vector<8x512xf32>
      %dot_general3A_261 = tpu.matmul %scan3A_180, %get3A_259, %dot_general3A_260 {dimension_numbers = #tpu.dot_dimension_numbers<[1], [0], [0], [1], [0, 0, 1, 1], [], []>, transpose_lhs_hint = false} : vector<8x1024xf32>, vector<1024x512xf32>, vector<8x512xf32> -> vector<8x512xf32>
      %get3A_262 = arith.constant 14336 : index
      %get3A_263 = arith.constant 0 : index
      %get3A_264 = vector.load %arg3[%get3A_262, %get3A_263] : memref<16384x512xf32, #tpu.memory_space<vmem>>, vector<1024x512xf32>
      %dot_general3A_265 = arith.constant dense<0.000000e+00> : vector<8x512xf32>
      %dot_general3A_266 = tpu.matmul %scan3A_181, %get3A_264, %dot_general3A_265 {dimension_numbers = #tpu.dot_dimension_numbers<[1], [0], [0], [1], [0, 0, 1, 1], [], []>, transpose_lhs_hint = false} : vector<8x1024xf32>, vector<1024x512xf32>, vector<8x512xf32> -> vector<8x512xf32>
      %add3A_267 = arith.addf %dot_general3A_261, %dot_general3A_266 : vector<8x512xf32>
      %mul3A_268 = arith.constant 8 : i32
      %mul3A_269 = arith.muli %scan3A_179, %mul3A_268 : i32
      %add3A_270 = arith.constant 360 : i32
      %add3A_271 = arith.addi %add3A_270, %mul3A_269 : i32
      %get3A_272 = arith.index_cast %add3A_271 : i32 to index
      %get3A_273 = arith.constant 0 : index
      %get3A_274 = vector.load %arg8[%get3A_272, %get3A_273] : memref<480x512xf32, #tpu.memory_space<vmem>>, vector<8x512xf32>
      %add3A_275 = arith.addf %add3A_267, %get3A_274 : vector<8x512xf32>
      %slice3A_276 = vector.extract_strided_slice %get3A_185 {offsets = [0, 3], sizes = [8, 1], strides = [1, 1]} : vector<8x4xf32> to vector<8x1xf32>
      %mul3A_277 = vector.broadcast %slice3A_276 : vector<8x1xf32> to vector<8x512xf32>
      %mul3A_278 = arith.mulf %mul3A_277, %add3A_275 : vector<8x512xf32>
      %add3A_279 = arith.addf %add3A_256, %mul3A_278 : vector<8x512xf32>
      %max3A = arith.constant 0.000000e+00 : f32
      %max3A_280 = vector.broadcast %max3A : f32 to vector<8x512xf32>
      %max3A_281 = arith.maximumf %add3A_279, %max3A_280 : vector<8x512xf32>
      %broadcast_in_dim3A_282 = arith.constant 0.000000e+00 : f32
      %broadcast_in_dim3A_283 = vector.broadcast %broadcast_in_dim3A_282 : f32 to vector<8x2048xf32>
      %get3A_284 = arith.constant 0 : index
      %get3A_285 = arith.constant 0 : index
      %get3A_286 = vector.load %arg4[%get3A_284, %get3A_285] : memref<2048x2048xf32, #tpu.memory_space<vmem>>, vector<512x2048xf32>
      %dot_general3A_287 = arith.constant dense<0.000000e+00> : vector<8x2048xf32>
      %dot_general3A_288 = tpu.matmul %max3A_281, %get3A_286, %dot_general3A_287 {dimension_numbers = #tpu.dot_dimension_numbers<[1], [0], [0], [1], [0, 0, 1, 1], [], []>, transpose_lhs_hint = false} : vector<8x512xf32>, vector<512x2048xf32>, vector<8x2048xf32> -> vector<8x2048xf32>
      %slice3A_289 = vector.extract_strided_slice %get3A_185 {offsets = [0, 0], sizes = [8, 1], strides = [1, 1]} : vector<8x4xf32> to vector<8x1xf32>
      %mul3A_290 = vector.broadcast %slice3A_289 : vector<8x1xf32> to vector<8x2048xf32>
      %mul3A_291 = arith.mulf %mul3A_290, %dot_general3A_288 : vector<8x2048xf32>
      %add3A_292 = arith.addf %broadcast_in_dim3A_283, %mul3A_291 : vector<8x2048xf32>
      %get3A_293 = arith.constant 512 : index
      %get3A_294 = arith.constant 0 : index
      %get3A_295 = vector.load %arg4[%get3A_293, %get3A_294] : memref<2048x2048xf32, #tpu.memory_space<vmem>>, vector<512x2048xf32>
      %dot_general3A_296 = arith.constant dense<0.000000e+00> : vector<8x2048xf32>
      %dot_general3A_297 = tpu.matmul %max3A_281, %get3A_295, %dot_general3A_296 {dimension_numbers = #tpu.dot_dimension_numbers<[1], [0], [0], [1], [0, 0, 1, 1], [], []>, transpose_lhs_hint = false} : vector<8x512xf32>, vector<512x2048xf32>, vector<8x2048xf32> -> vector<8x2048xf32>
      %slice3A_298 = vector.extract_strided_slice %get3A_185 {offsets = [0, 1], sizes = [8, 1], strides = [1, 1]} : vector<8x4xf32> to vector<8x1xf32>
      %mul3A_299 = vector.broadcast %slice3A_298 : vector<8x1xf32> to vector<8x2048xf32>
      %mul3A_300 = arith.mulf %mul3A_299, %dot_general3A_297 : vector<8x2048xf32>
      %add3A_301 = arith.addf %add3A_292, %mul3A_300 : vector<8x2048xf32>
      %get3A_302 = arith.constant 1024 : index
      %get3A_303 = arith.constant 0 : index
      %get3A_304 = vector.load %arg4[%get3A_302, %get3A_303] : memref<2048x2048xf32, #tpu.memory_space<vmem>>, vector<512x2048xf32>
      %dot_general3A_305 = arith.constant dense<0.000000e+00> : vector<8x2048xf32>
      %dot_general3A_306 = tpu.matmul %max3A_281, %get3A_304, %dot_general3A_305 {dimension_numbers = #tpu.dot_dimension_numbers<[1], [0], [0], [1], [0, 0, 1, 1], [], []>, transpose_lhs_hint = false} : vector<8x512xf32>, vector<512x2048xf32>, vector<8x2048xf32> -> vector<8x2048xf32>
      %slice3A_307 = vector.extract_strided_slice %get3A_185 {offsets = [0, 2], sizes = [8, 1], strides = [1, 1]} : vector<8x4xf32> to vector<8x1xf32>
      %mul3A_308 = vector.broadcast %slice3A_307 : vector<8x1xf32> to vector<8x2048xf32>
      %mul3A_309 = arith.mulf %mul3A_308, %dot_general3A_306 : vector<8x2048xf32>
      %add3A_310 = arith.addf %add3A_301, %mul3A_309 : vector<8x2048xf32>
      %get3A_311 = arith.constant 1536 : index
      %get3A_312 = arith.constant 0 : index
      %get3A_313 = vector.load %arg4[%get3A_311, %get3A_312] : memref<2048x2048xf32, #tpu.memory_space<vmem>>, vector<512x2048xf32>
      %dot_general3A_314 = arith.constant dense<0.000000e+00> : vector<8x2048xf32>
      %dot_general3A_315 = tpu.matmul %max3A_281, %get3A_313, %dot_general3A_314 {dimension_numbers = #tpu.dot_dimension_numbers<[1], [0], [0], [1], [0, 0, 1, 1], [], []>, transpose_lhs_hint = false} : vector<8x512xf32>, vector<512x2048xf32>, vector<8x2048xf32> -> vector<8x2048xf32>
      %slice3A_316 = vector.extract_strided_slice %get3A_185 {offsets = [0, 3], sizes = [8, 1], strides = [1, 1]} : vector<8x4xf32> to vector<8x1xf32>
      %mul3A_317 = vector.broadcast %slice3A_316 : vector<8x1xf32> to vector<8x2048xf32>
      %mul3A_318 = arith.mulf %mul3A_317, %dot_general3A_315 : vector<8x2048xf32>
      %add3A_319 = arith.addf %add3A_310, %mul3A_318 : vector<8x2048xf32>
      %reduce_max3A_320 = arith.constant dense<0xFF800000> : vector<8xf32>
      %reduce_max3A_321 = vector.multi_reduction <maximumf>, %add3A_319, %reduce_max3A_320 [1] : vector<8x2048xf32> to vector<8xf32>
      %broadcast_in_dim3A_322 = vector.shape_cast %reduce_max3A_321 : vector<8xf32> to vector<8x1xf32>
      %sub3A_323 = vector.broadcast %broadcast_in_dim3A_322 : vector<8x1xf32> to vector<8x2048xf32>
      %sub3A_324 = arith.subf %add3A_319, %sub3A_323 : vector<8x2048xf32>
      %exp3A_325 = math.exp %sub3A_324 : vector<8x2048xf32>
      %slice3A_326 = vector.extract_strided_slice %exp3A_325 {offsets = [0, 0], sizes = [8, 256], strides = [1, 1]} : vector<8x2048xf32> to vector<8x256xf32>
      %reduce_sum3A_327 = arith.constant dense<0.000000e+00> : vector<8xf32>
      %reduce_sum3A_328 = vector.multi_reduction <add>, %slice3A_326, %reduce_sum3A_327 [1] : vector<8x256xf32> to vector<8xf32>
      %broadcast_in_dim3A_329 = vector.shape_cast %reduce_sum3A_328 : vector<8xf32> to vector<8x1xf32>
      %div3A_330 = vector.broadcast %broadcast_in_dim3A_329 : vector<8x1xf32> to vector<8x256xf32>
      %div3A_331 = arith.divf %slice3A_326, %div3A_330 : vector<8x256xf32>
      %slice3A_332 = vector.extract_strided_slice %exp3A_325 {offsets = [0, 256], sizes = [8, 256], strides = [1, 1]} : vector<8x2048xf32> to vector<8x256xf32>
      %reduce_sum3A_333 = arith.constant dense<0.000000e+00> : vector<8xf32>
      %reduce_sum3A_334 = vector.multi_reduction <add>, %slice3A_332, %reduce_sum3A_333 [1] : vector<8x256xf32> to vector<8xf32>
      %broadcast_in_dim3A_335 = vector.shape_cast %reduce_sum3A_334 : vector<8xf32> to vector<8x1xf32>
      %div3A_336 = vector.broadcast %broadcast_in_dim3A_335 : vector<8x1xf32> to vector<8x256xf32>
      %div3A_337 = arith.divf %slice3A_332, %div3A_336 : vector<8x256xf32>
      %slice3A_338 = vector.extract_strided_slice %exp3A_325 {offsets = [0, 512], sizes = [8, 256], strides = [1, 1]} : vector<8x2048xf32> to vector<8x256xf32>
      %reduce_sum3A_339 = arith.constant dense<0.000000e+00> : vector<8xf32>
      %reduce_sum3A_340 = vector.multi_reduction <add>, %slice3A_338, %reduce_sum3A_339 [1] : vector<8x256xf32> to vector<8xf32>
      %broadcast_in_dim3A_341 = vector.shape_cast %reduce_sum3A_340 : vector<8xf32> to vector<8x1xf32>
      %div3A_342 = vector.broadcast %broadcast_in_dim3A_341 : vector<8x1xf32> to vector<8x256xf32>
      %div3A_343 = arith.divf %slice3A_338, %div3A_342 : vector<8x256xf32>
      %slice3A_344 = vector.extract_strided_slice %exp3A_325 {offsets = [0, 768], sizes = [8, 256], strides = [1, 1]} : vector<8x2048xf32> to vector<8x256xf32>
      %reduce_sum3A_345 = arith.constant dense<0.000000e+00> : vector<8xf32>
      %reduce_sum3A_346 = vector.multi_reduction <add>, %slice3A_344, %reduce_sum3A_345 [1] : vector<8x256xf32> to vector<8xf32>
      %broadcast_in_dim3A_347 = vector.shape_cast %reduce_sum3A_346 : vector<8xf32> to vector<8x1xf32>
      %div3A_348 = vector.broadcast %broadcast_in_dim3A_347 : vector<8x1xf32> to vector<8x256xf32>
      %div3A_349 = arith.divf %slice3A_344, %div3A_348 : vector<8x256xf32>
      %slice3A_350 = vector.extract_strided_slice %exp3A_325 {offsets = [0, 1024], sizes = [8, 256], strides = [1, 1]} : vector<8x2048xf32> to vector<8x256xf32>
      %reduce_sum3A_351 = arith.constant dense<0.000000e+00> : vector<8xf32>
      %reduce_sum3A_352 = vector.multi_reduction <add>, %slice3A_350, %reduce_sum3A_351 [1] : vector<8x256xf32> to vector<8xf32>
      %broadcast_in_dim3A_353 = vector.shape_cast %reduce_sum3A_352 : vector<8xf32> to vector<8x1xf32>
      %div3A_354 = vector.broadcast %broadcast_in_dim3A_353 : vector<8x1xf32> to vector<8x256xf32>
      %div3A_355 = arith.divf %slice3A_350, %div3A_354 : vector<8x256xf32>
      %slice3A_356 = vector.extract_strided_slice %exp3A_325 {offsets = [0, 1280], sizes = [8, 256], strides = [1, 1]} : vector<8x2048xf32> to vector<8x256xf32>
      %reduce_sum3A_357 = arith.constant dense<0.000000e+00> : vector<8xf32>
      %reduce_sum3A_358 = vector.multi_reduction <add>, %slice3A_356, %reduce_sum3A_357 [1] : vector<8x256xf32> to vector<8xf32>
      %broadcast_in_dim3A_359 = vector.shape_cast %reduce_sum3A_358 : vector<8xf32> to vector<8x1xf32>
      %div3A_360 = vector.broadcast %broadcast_in_dim3A_359 : vector<8x1xf32> to vector<8x256xf32>
      %div3A_361 = arith.divf %slice3A_356, %div3A_360 : vector<8x256xf32>
      %slice3A_362 = vector.extract_strided_slice %exp3A_325 {offsets = [0, 1536], sizes = [8, 256], strides = [1, 1]} : vector<8x2048xf32> to vector<8x256xf32>
      %reduce_sum3A_363 = arith.constant dense<0.000000e+00> : vector<8xf32>
      %reduce_sum3A_364 = vector.multi_reduction <add>, %slice3A_362, %reduce_sum3A_363 [1] : vector<8x256xf32> to vector<8xf32>
      %broadcast_in_dim3A_365 = vector.shape_cast %reduce_sum3A_364 : vector<8xf32> to vector<8x1xf32>
      %div3A_366 = vector.broadcast %broadcast_in_dim3A_365 : vector<8x1xf32> to vector<8x256xf32>
      %div3A_367 = arith.divf %slice3A_362, %div3A_366 : vector<8x256xf32>
      %slice3A_368 = vector.extract_strided_slice %exp3A_325 {offsets = [0, 1792], sizes = [8, 256], strides = [1, 1]} : vector<8x2048xf32> to vector<8x256xf32>
      %reduce_sum3A_369 = arith.constant dense<0.000000e+00> : vector<8xf32>
      %reduce_sum3A_370 = vector.multi_reduction <add>, %slice3A_368, %reduce_sum3A_369 [1] : vector<8x256xf32> to vector<8xf32>
      %broadcast_in_dim3A_371 = vector.shape_cast %reduce_sum3A_370 : vector<8xf32> to vector<8x1xf32>
      %div3A_372 = vector.broadcast %broadcast_in_dim3A_371 : vector<8x1xf32> to vector<8x256xf32>
      %div3A_373 = arith.divf %slice3A_368, %div3A_372 : vector<8x256xf32>
      %concatenate3A_374 = tpu.concatenate %div3A_331, %div3A_337, %div3A_343, %div3A_349, %div3A_355, %div3A_361, %div3A_367, %div3A_373 in 1 : vector<8x256xf32>, vector<8x256xf32>, vector<8x256xf32>, vector<8x256xf32>, vector<8x256xf32>, vector<8x256xf32>, vector<8x256xf32>, vector<8x256xf32> -> vector<8x2048xf32>
      %slice3A_375 = vector.extract_strided_slice %concatenate3A_374 {offsets = [0, 0], sizes = [8, 1024], strides = [1, 1]} : vector<8x2048xf32> to vector<8x1024xf32>
      %slice3A_376 = vector.extract_strided_slice %concatenate3A_374 {offsets = [0, 1024], sizes = [8, 1024], strides = [1, 1]} : vector<8x2048xf32> to vector<8x1024xf32>
      scf.yield %slice3A_375, %slice3A_376 : vector<8x1024xf32>, vector<8x1024xf32>
    }
    %scan3A_151 = arith.constant 15 : i32
    %slice3A_152 = vector.extract_strided_slice %scan3A_150#0 {offsets = [0, 0], sizes = [8, 256], strides = [1, 1]} : vector<8x1024xf32> to vector<8x256xf32>
    %reduce_sum3A_153 = arith.constant dense<0.000000e+00> : vector<8xf32>
    %reduce_sum3A_154 = vector.multi_reduction <add>, %slice3A_152, %reduce_sum3A_153 [1] : vector<8x256xf32> to vector<8xf32>
    %broadcast_in_dim3A_155 = vector.shape_cast %reduce_sum3A_154 : vector<8xf32> to vector<8x1xf32>
    %div3A_156 = vector.broadcast %broadcast_in_dim3A_155 : vector<8x1xf32> to vector<8x256xf32>
    %div3A_157 = arith.divf %slice3A_152, %div3A_156 : vector<8x256xf32>
    %slice3A_158 = vector.extract_strided_slice %scan3A_150#0 {offsets = [0, 256], sizes = [8, 256], strides = [1, 1]} : vector<8x1024xf32> to vector<8x256xf32>
    %reduce_sum3A_159 = arith.constant dense<0.000000e+00> : vector<8xf32>
    %reduce_sum3A_160 = vector.multi_reduction <add>, %slice3A_158, %reduce_sum3A_159 [1] : vector<8x256xf32> to vector<8xf32>
    %broadcast_in_dim3A_161 = vector.shape_cast %reduce_sum3A_160 : vector<8xf32> to vector<8x1xf32>
    %div3A_162 = vector.broadcast %broadcast_in_dim3A_161 : vector<8x1xf32> to vector<8x256xf32>
    %div3A_163 = arith.divf %slice3A_158, %div3A_162 : vector<8x256xf32>
    %slice3A_164 = vector.extract_strided_slice %scan3A_150#0 {offsets = [0, 512], sizes = [8, 256], strides = [1, 1]} : vector<8x1024xf32> to vector<8x256xf32>
    %reduce_sum3A_165 = arith.constant dense<0.000000e+00> : vector<8xf32>
    %reduce_sum3A_166 = vector.multi_reduction <add>, %slice3A_164, %reduce_sum3A_165 [1] : vector<8x256xf32> to vector<8xf32>
    %broadcast_in_dim3A_167 = vector.shape_cast %reduce_sum3A_166 : vector<8xf32> to vector<8x1xf32>
    %div3A_168 = vector.broadcast %broadcast_in_dim3A_167 : vector<8x1xf32> to vector<8x256xf32>
    %div3A_169 = arith.divf %slice3A_164, %div3A_168 : vector<8x256xf32>
    %slice3A_170 = vector.extract_strided_slice %scan3A_150#0 {offsets = [0, 768], sizes = [8, 256], strides = [1, 1]} : vector<8x1024xf32> to vector<8x256xf32>
    %reduce_sum3A_171 = arith.constant dense<0.000000e+00> : vector<8xf32>
    %reduce_sum3A_172 = vector.multi_reduction <add>, %slice3A_170, %reduce_sum3A_171 [1] : vector<8x256xf32> to vector<8xf32>
    %broadcast_in_dim3A_173 = vector.shape_cast %reduce_sum3A_172 : vector<8xf32> to vector<8x1xf32>
    %div3A_174 = vector.broadcast %broadcast_in_dim3A_173 : vector<8x1xf32> to vector<8x256xf32>
    %div3A_175 = arith.divf %slice3A_170, %div3A_174 : vector<8x256xf32>
    %concatenate3A = tpu.concatenate %div3A_157, %div3A_163, %div3A_169, %div3A_175 in 1 : vector<8x256xf32>, vector<8x256xf32>, vector<8x256xf32>, vector<8x256xf32> -> vector<8x1024xf32>
    %swap3A_176 = arith.constant 0 : index
    %swap3A_177 = arith.constant 0 : index
    %swap3A_178 = vector.load %arg5[%swap3A_176, %swap3A_177] : memref<8x1024xf32, #tpu.memory_space<vmem>>, vector<8x1024xf32>
    tpu.vector_store %arg5[%swap3A_176, %swap3A_177], %concatenate3A {strides = array<i32>} : memref<8x1024xf32, #tpu.memory_space<vmem>>, vector<8x1024xf32>,
    return
  }
}

</mosaic_0001>

<sc_bundles>
// kernel: kernel.4.cloned.1.call-start
scs
__scs_entry_jumppad:
0x0: {  	(pc) =	sbr.rel $0x88, $3  }
0x1: {  	(tag) =	ssettag $0x0;
	lr =	simm.s32 $0x1  }
0x2: {  	[smem:$0x3F9B] =	sst lr;
	_ =	strace $0xD0000000  }
0x3: {  	_ = 	snop  }
0x4: {  	_ = 	snop  }
0x5: {  	_ = 	snop  }
0x6: {  	_ = 	snop  }
0x7: {  	_ = 	snop  }
__scs_overlays_trampoline_lowered:
0x8: {  	[smem:$0x3FAA] =	sst s0  }
0x9: {  	[smem:$0x3FAB] =	sst s1  }
0xa: {  	[smem:$0x3FAC] =	sst s2  }
0xb: {  	[smem:$0x3FAD] =	sst s3  }
0xc: {  	[smem:$0x3FAE] =	sst s4  }
0xd: {  	[smem:$0x3FAF] =	sst s5  }
0xe: {  	[smem:$0x3FB0] =	sst s6  }
0xf: {  	[smem:$0x3FB1] =	sst s7  }
0x10: {  	[smem:$0x3FB2] =	sst s8  }
0x11: {  	[smem:$0x3FB3] =	sst s9;
	s0 =	simm.s32 @!p0 $0x0  }
0x12: {  	s1 =	sld [smem:$0x3F99];
	s0 =	simm.s32 @p0 $0x1  }
0x13: {  	[smem:$0x3FB4] =	sst s0;
	s0 =	simm.s32 @!p1 $0x0  }
0x14: {  	s2 =	sld [smem:$0x3F98];
	s0 =	simm.s32 @p1 $0x1  }
0x15: {  	[smem:$0x3FB5] =	sst s0;
	s0 =	simm.s32 @!p2 $0x0  }
0x16: {  	s3 =	sld [smem:$0x3FDB];
	s0 =	simm.s32 @p2 $0x1  }
0x17: {  	s4 =	simm.s32 $0x1BF5;
	[smem:$0x3FB7] =	sst s0  }
0x18: {  	s0 =	sld [smem:$0x3F9A];
	_ =	swait.ge [sflag:s4], $0x0  }
0x19: {  	s7 =	sld [smem:$0x3F9B]  }
0x1a: {  	s8 =	sadd.s32 $0xFFFFE003, lr  }
0x1b: {  	s9 =	sadd.s32 $0xFFFFFEF7, lr;
	s5 =	simm.s32 $0xFFFFFFFF;
	p2 =	slt.u32 s8, $0xFFFFF086  }
0x1c: {  	p1 =	slt.u32 s9, $0xF7A;
	s5 =	simm.s32 @!p2 $0x0  }
0x1d: {  	s5 =	simm.s32 @p1 $0x1;
	p0 =	seq.s32 s7, s2  }
0x1e: {  	s7 =	smul.u32 @!p0 $0xF7A, s2;
	p2 =	seq.s32 @!p0 s5, $0x0  }
0x1f: {  	s9 =	smul.u32 $0xF7A, s1;
	s8 =	simm.s32 @!p0 $0x1BF5;
	p2 =	por !p2, p0  }
0x20: {  	[sflag:s8] =	ssyncset.s32 @!p0 $0xFFFFF086;
	s6 =	sadd.s32 @!p0 s3, s7;
	s7 =	simm.s32 @!p0 $0x108  }
0x21: {  	s3 =	sadd.s32 s3, s9;
	s6 =	sadd.s32 @!p0 $0x88, s6;
	s7 =	simm.s32 @p2 $0x1082  }
0x22: {  	[simem:s7], [sflag:s8] =	dma.local @!p0 [hbm:s6], $0xF7A  }
0x23: {  	s9 =	sor.u32 $0xD0000000, s2;
	s6 =	simm.s32 $0x108;
	_ =	swait.ge @!p0 [sflag:s8], $0x0  }
0x24: {  	s3 =	sadd.s32 $0x88, s3;
	s6 =	simm.s32 @!p1 $0x1082;
	[sflag:s4] =	ssyncset.s32 $0xFFFFF086  }
0x25: {  	[simem:s6], [sflag:s4] =	dma.local [hbm:s3], $0xF7A  }
0x26: {  	[smem:$0x3F9B] =	sst s1;
	(tag) =	ssettag s2;
	_ =	strace s9  }
0x27: {  	s1 =	sld [smem:$0x3FAB]  }
0x28: {  	s2 =	sld [smem:$0x3FAC]  }
0x29: {  	s4 =	sld [smem:$0x3FAE]  }
0x2a: {  	p0 =	seq.s32 s5, $0x0;
	s5 =	sld [smem:$0x3FAF]  }
0x2b: {  	s6 =	sld [smem:$0x3FB0]  }
0x2c: {  	s7 =	sld [smem:$0x3FB1]  }
0x2d: {  	s3 =	simm.s32 $0x108;
	s8 =	sld [smem:$0x3FB2]  }
0x2e: {  	s3 =	simm.s32 @!p0 $0x1082;
	s9 =	sld [smem:$0x3FB3]  }
0x2f: {  	lr =	sadd.s32 s0, s3;
	s0 =	sld [smem:$0x3FAA]  }
0x30: {  	s3 =	sld [smem:$0x3FAD]  }
0x31: {  	[smem:$0x3FB6] =	sst s10  }
0x32: {  	s10 =	sld [smem:$0x3FB4];
	_ =	sdelay $0x3  }
0x33: {  	p0 =	seq.s32 s10, $0x1;
	s10 =	sld [smem:$0x3FB6];
	_ =	sdelay $0x3  }
0x34: {  	[smem:$0x3FB6] =	sst s10  }
0x35: {  	s10 =	sld [smem:$0x3FB5];
	_ =	sdelay $0x3  }
0x36: {  	p1 =	seq.s32 s10, $0x1;
	s10 =	sld [smem:$0x3FB6];
	_ =	sdelay $0x3  }
0x37: {  	[smem:$0x3FB6] =	sst s10  }
0x38: {  	s10 =	sld [smem:$0x3FB7]  }
0x39: {  	_ = 	snop;
	(pc) =	sbr.ind lr, $3  }
0x3a: {  	_ = 	snop  }
0x3b: {  	_ = 	snop  }
0x3c: {  	p2 =	seq.s32 s10, $0x1;
	s10 =	sld [smem:$0x3FB6]  }
0x3d: {  	_ =	shalt  }
0x3e: {  	_ =	shalt  }
0x3f: {  	_ =	shalt  }
0x40: {  	_ =	shalt  }
0x41: {  	_ =	shalt  }
0x42: {  	_ =	shalt  }
0x43: {  	_ =	shalt  }
0x44: {  	_ =	shalt  }
0x45: {  	_ =	shalt  }
0x46: {  	_ =	shalt  }
0x47: {  	_ =	shalt  }
0x48: {  	_ =	shalt  }
0x49: {  	_ =	shalt  }
0x4a: {  	_ =	shalt  }
0x4b: {  	_ =	shalt  }
0x4c: {  	_ =	shalt  }
0x4d: {  	_ =	shalt  }
0x4e: {  	_ =	shalt  }
0x4f: {  	_ =	shalt  }
0x50: {  	_ =	shalt  }
0x51: {  	_ =	shalt  }
0x52: {  	_ =	shalt  }
0x53: {  	_ =	shalt  }
0x54: {  	_ =	shalt  }
0x55: {  	_ =	shalt  }
0x56: {  	_ =	shalt  }
0x57: {  	_ =	shalt  }
0x58: {  	_ =	shalt  }
0x59: {  	_ =	shalt  }
0x5a: {  	_ =	shalt  }
0x5b: {  	_ =	shalt  }
0x5c: {  	_ =	shalt  }
0x5d: {  	_ =	shalt  }
0x5e: {  	_ =	shalt  }
0x5f: {  	_ =	shalt  }
0x60: {  	_ =	shalt  }
0x61: {  	_ =	shalt  }
0x62: {  	_ =	shalt  }
0x63: {  	_ =	shalt  }
0x64: {  	_ =	shalt  }
0x65: {  	_ =	shalt  }
0x66: {  	_ =	shalt  }
0x67: {  	_ =	shalt  }
0x68: {  	_ =	shalt  }
0x69: {  	_ =	shalt  }
0x6a: {  	_ =	shalt  }
0x6b: {  	_ =	shalt  }
0x6c: {  	_ =	shalt  }
0x6d: {  	_ =	shalt  }
0x6e: {  	_ =	shalt  }
0x6f: {  	_ =	shalt  }
0x70: {  	_ =	shalt  }
0x71: {  	_ =	shalt  }
0x72: {  	_ =	shalt  }
0x73: {  	_ =	shalt  }
0x74: {  	_ =	shalt  }
0x75: {  	_ =	shalt  }
0x76: {  	_ =	shalt  }
0x77: {  	_ =	shalt  }
0x78: {  	_ =	shalt  }
0x79: {  	_ =	shalt  }
0x7a: {  	_ =	shalt  }
0x7b: {  	_ =	shalt  }
0x7c: {  	_ =	shalt  }
0x7d: {  	_ =	shalt  }
0x7e: {  	_ =	shalt  }
0x7f: {  	_ =	shalt  }
0x80: {  	_ =	shalt  }
0x81: {  	_ =	shalt  }
0x82: {  	_ =	shalt  }
0x83: {  	_ =	shalt  }
0x84: {  	_ =	shalt  }
0x85: {  	_ =	shalt  }
0x86: {  	_ =	shalt  }
0x87: {  	_ =	shalt  }
.Lfunc_end0:
.L_simem_size_0:
called_computation_lowered:
.L_overlay_start_0:
0x88: {  	s2 =	sld [smem:$0x3FD9]  }
0x89: {  	s3 =	sld [smem:$0x3FFE];
	_ =	sdelay $0x1  }
0x8a: {  	s1 =	srdreg.scid  }
0x8b: {  	s0 =	sand.u32 $0x1, s1  }
0x8c: {  	s17 =	sshll.u32 s0, $0xA;
	s2 =	sadd.s32 s3, s2  }
0x8d: {  	s2 =	sadd.s32 s2, s17  }
0x8e: {  	[smem:$0x3FC2] =	sst s2  }
0x8f: {  	_ = 	snop  }
0x90: {  	s2 =	sld [smem:$0x3FC7]  }
0x91: {  	s18 =	sld [smem:$0x3FC6]  }
0x92: {  	s4 =	sld [smem:$0x3FD0];
	(tm) =	ssettm $0x1  }
0x93: {  	s5 =	sld [smem:$0x3FFB];
	_ =	sdelay $0x3  }
0x94: {  	_ =	strace s5  }
0x95: {  	s5 =	sld [smem:$0x3FFC];
	_ =	sdelay $0x3  }
0x96: {  	_ =	strace s5  }
0x97: {  	s5 =	sld [smem:$0x3FFD];
	_ =	sdelay $0x3  }
0x98: {  	_ =	strace s5  }
0x99: {  	_ =	strace $0x8FFFFFFF  }
0x9a: {  	s19 =	sld [smem:$0x3FDB];
	_ =	sdelay $0x1  }
0x9b: {  	s6 =	simm.s32 $_scs_section_size  }
0x9c: {  	s7 =	simm.s32 $_size__tile_overlayer_lowered;
	s8 =	simm.s32 $_tile_overlayer_lowered  }
0x9d: {  	s22 =	simm.s32 $0x1BFF;
	s21 =	sshll.u32 s8, $0x1;
	s5 =	sadd.s32 s6, s19  }
0x9e: {  	s9 =	simm.s32 $0x0;
	s20 =	sshll.u32 s7, $0x1;
	s7 =	sadd.s32 s21, s5  }
0x9f: {  	[timem:s9], [sflag:s22] =	dma.local [hbm:s7], s20  }
0xa0: {  	_ =	swait.ge [sflag:s22], s20  }
0xa1: {  	s6 =	ssub.s32 $0x0, s20;
	[sflag:s22] =	ssyncset.done $0x0  }
0xa2: {  	[sflag:s22] =	ssyncadd.s32 s6;
	_ =	sdelay $0x1  }
0xa3: {  	s23 =	simm.s32 $0x1B8B  }
0xa4: {  	_ =	swait.ge [sflag:s23], $0x1  }
0xa5: {  	[sflag:s23] =	ssyncset.done $0x0  }
0xa6: {  	s25 =	simm.s32 $0x1B8E;
	s24 =	sld [smem:$0x3FFE];
	[sflag:s23] =	ssyncadd.s32 $0xFFFFFFFF  }
0xa7: {  	s26 =	simm.s32 $execute0_lowered;
	[smem:$0x3FD2] =	sst s25  }
0xa8: {  	s7 =	sshll.u32 s26, $0x1;
	_ =	strace $0x80000046;
	[dreg:$0x1] =	wrdreg $0xFFFFFFFF  }
0xa9: {  	s28 =	simm.s32 $_size_execute0_lowered;
	s5 =	sadd.s32 s5, s7;
	[dreg:$0x0] =	wrdreg $0x0  }
0xaa: {  	s7 =	sshll.u32 s28, $0x1;
	[dreg:$0x2] =	wrdreg s5  }
0xab: {  	[dreg:$0x3] =	wrdreg s7  }
0xac: {  	[dreg:$0x4] =	wrdreg $0xC0  }
0xad: {  	_ =	task [dreg:s9], $0x5FFFF  }
0xae: {  	[dreg:$0x1] =	wrdreg $0xFFFFFFFF  }
0xaf: {  	[dreg:$0x0] =	wrdreg $0x60  }
0xb0: {  	[dreg:$0x2] =	wrdreg s2  }
0xb1: {  	[dreg:$0x3] =	wrdreg s18  }
0xb2: {  	[dreg:$0x4] =	wrdreg s4  }
0xb3: {  	[dreg:$0x5] =	wrdreg s24  }
0xb4: {  	[dreg:$0x6] =	wrdreg $0x9  }
0xb5: {  	_ =	task.clear_ibuf [dreg:s9], $0x7FFFF;
	_ =	strace $0x90000046  }
0xb6: {  	s29 =	simm.s32 $0x9;
	_ =	strace $0x80000048  }
0xb7: {  	_ =	swait.ge [sflag:s29], $0x1  }
0xb8: {  	[sflag:s29] =	ssyncadd.s32 $0xFFFFFFFF  }
0xb9: {  	_ =	strace $0x90000048  }
0xba: {  	_ =	sfence  }
0xbb: {  	s30 =	sld [smem:$0x0];
	_ =	sdelay $0x2  }
0xbc: {  	s31 =	sshll.u32 s1, $0xD;
	s1 =	sshrl.u32 s1, $0x2  }
0xbd: {  	s3 =	sand.u32 $0x4000, s31;
	s1 =	sadd.s32 s1, s30  }
0xbe: {  	s0 =	sor.u32 s3, s0;
	s1 =	sshll.u32 s1, $0x11  }
0xbf: {  	s0 =	sor.u32 s1, s0  }
0xc0: {  	s0 =	sadd.s32 $0x8F2B, s0  }
0xc1: {  	[sflag:s0] =	ssyncadd.remote.s32 $0x1  }
0xc2: {  	_ =	sfence.sel $0xFFFF  }
0xc3: {  	[dreg:$0x0] =	wrdreg $0xFFFFFFFF;
	(pc) =	sbr.abs _section_cstart, $3  }
0xc4: {  	[dreg:$0x1] =	wrdreg $0xFFFFFFFF  }
0xc5: {  	_ =	task.clear_ibuf [dreg:s9], $0x2FFFF;
	_ =	strace $0x9FFFFFFF  }
0xc6: {  	(tm) =	ssettm $0x7FFFFFFF  }
0xc7: {  	_ =	shalt  }
tec
execute0_lowered:
.L_overlay_start_1:
0x0: {  	(tag) =	ssettag $0x1  }
0x1: {  	s1 =	rddreg [dreg:$0x0]  }
0x2: {  	s2 =	rddreg [dreg:$0x1]  }
0x3: {  	s5 =	rddreg [dreg:$0x2]  }
0x4: {  	s6 =	rddreg [dreg:$0x3]  }
0x5: {  	s0 =	rddreg [dreg:$0x4]  }
0x6: {  	s7 =	srdreg.scid;
	s3 =	stileid.u32  }
0x7: {  	s4 =	simm.s32 $0x0;
	s15 =	simm.s32 $0x2;
	s16 =	simm.s32 $0x80  }
0x8: {  	s17 =	simm.s32 $0x880;
	s18 =	simm.s32 $0x1080;
	s19 =	simm.s32 $0x1880  }
0x9: {  	s20 =	simm.s32 $0x1;
	s7 =	sand.u32 $0x1, s7;
	s8 =	sshll.u32 s3, $0x4  }
0xa: {  	[smem:$0x7FF] =	sst s4;
	s11 =	sadd.s32 $0x200, s2;
	s12 =	sadd.s32 $0x300, s2  }
0xb: {  	s9 =	sshll.u32 s7, $0x3;
	s8 =	sand.u32 $0x70, s8;
	s7 =	ssub.s32 $0x2, s7  }
0xc: {  	_ =	strace $0x80000047;
	s8 =	sor.u32 s9, s8;
	s10 =	sshrl.u32 s7, $0x1  }
0xd: {  	s9 =	sshll.u32 s8, $0x7;
	s8 =	sshrl.u32 s8, $0x3;
	s14 =	ssub.s32 s7, s10  }
0xe: {  	v0 =	vlaneseq.u32;
	s7 =	sadd.s32 $0x200, s1;
	s10 =	sadd.s32 $0x100, s2;
	s13 =	sadd.s32 s9, s6  }
0xf: {  	v1 =	vshrl.u32 v0, $0x3;
	s5 =	sadd.s32 s5, s8;
	s6 =	sadd.s32 $0x100, s1;
	s8 =	sadd.s32 $0x300, s1  }
0x10: {  	vm0 =	vmmov $0xffff;
	v0 =	vand.u32 $0x7, v0;
	v1 =	vmul.u32 $0x8, v1;
	s14 =	smax.u32 s14, $0x1;
	s9 =	sadd.s32 $0xA00, s13;
	s13 =	sadd.s32 $0x4A00, s13  }
.LBB2_1:
0x11: {  	[tilespmem:s4], [sflag:$0x2] =	stream.linear.gather [hbm4b:s5+s4], $0x8, $0x38;
	[tilespmem:$0x2080] =	vst v63  }
0x12: {  	_ =	swait.ge [sflag:s15], $0x8  }
0x13: {  	[sflag:s15] =	ssyncset.done $0x0  }
0x14: {  	[sflag:s15] =	ssyncadd.s32 $0xFFFFFFF8  }
0x15: {  	v2 =	vld.msk [tilespmem:$0x0], $0xff;
	_ =	sdelay $0x4  }
0x16: {  	v3 =	vshll.u32 v2, $0x3  }
0x17: {  	v2 =	vand.u32 $0x7, v2;
	v3 =	vand.u32 $0xFFFFFFC0, v3  }
0x18: {  	v2 =	vor.u32 v2, v3  }
0x19: {  	v2 =	vperm.xlane v2, v0;
	_ =	sdelay $0x1  }
0x1a: {  	v2 =	vadd.s32 v1, v2;
	_ =	sdelay $0x4  }
0x1b: {  	[tilespmem:s16], [sflag:$0x1] =	stream.indirect_vreg.gather [hbm4b:s1+s4], $0x80, v2, vm0, $0xb8;
	[tilespmem:$0x2080] =	vst v63  }
0x1c: {  	_ = 	snop  }
0x1d: {  	[tilespmem:s17], [sflag:$0x1] =	stream.indirect_vreg.gather [hbm4b:s6+s4], $0x80, v2, vm0, $0xb8;
	[tilespmem:$0x2080] =	vst v63  }
0x1e: {  	_ = 	snop  }
0x1f: {  	[tilespmem:s18], [sflag:$0x1] =	stream.indirect_vreg.gather [hbm4b:s7+s4], $0x80, v2, vm0, $0xb8;
	[tilespmem:$0x2080] =	vst v63  }
0x20: {  	_ = 	snop  }
0x21: {  	[tilespmem:s19], [sflag:$0x1] =	stream.indirect_vreg.gather [hbm4b:s8+s4], $0x80, v2, vm0, $0xb8;
	[tilespmem:$0x2080] =	vst v63  }
0x22: {  	_ =	swait.ge [sflag:s20], $0x2000  }
0x23: {  	[sflag:s20] =	ssyncset.done $0x0  }
0x24: {  	[sflag:s20] =	ssyncadd.s32 $0xFFFFE000  }
0x25: {  	[hbm4b:s9+s4] =	stream.linear.scatter [tilespmem:s16], [sflag:$0x2], $0x2000, $0x38;
	[tilespmem:$0x2080] =	vst v63  }
0x26: {  	_ =	swait.ge [sflag:s15], $0x2000  }
0x27: {  	[sflag:s15] =	ssyncset.done $0x0  }
0x28: {  	[sflag:s15] =	ssyncadd.s32 $0xFFFFE000  }
0x29: {  	v2 =	vld.msk [tilespmem:$0x0], $0xff;
	_ =	sdelay $0x4  }
0x2a: {  	v3 =	vshll.u32 v2, $0x3  }
0x2b: {  	v2 =	vand.u32 $0x7, v2;
	v3 =	vand.u32 $0xFFFFFFC0, v3  }
0x2c: {  	v2 =	vor.u32 v2, v3  }
0x2d: {  	v2 =	vperm.xlane v2, v0;
	_ =	sdelay $0x1  }
0x2e: {  	v2 =	vadd.s32 v1, v2;
	_ =	sdelay $0x4  }
0x2f: {  	[tilespmem:s16], [sflag:$0x1] =	stream.indirect_vreg.gather [hbm4b:s2+s4], $0x80, v2, vm0, $0xb8;
	[tilespmem:$0x2080] =	vst v63  }
0x30: {  	_ = 	snop  }
0x31: {  	[tilespmem:s17], [sflag:$0x1] =	stream.indirect_vreg.gather [hbm4b:s10+s4], $0x80, v2, vm0, $0xb8;
	[tilespmem:$0x2080] =	vst v63  }
0x32: {  	_ = 	snop  }
0x33: {  	[tilespmem:s18], [sflag:$0x1] =	stream.indirect_vreg.gather [hbm4b:s11+s4], $0x80, v2, vm0, $0xb8;
	[tilespmem:$0x2080] =	vst v63  }
0x34: {  	_ = 	snop  }
0x35: {  	[tilespmem:s19], [sflag:$0x1] =	stream.indirect_vreg.gather [hbm4b:s12+s4], $0x80, v2, vm0, $0xb8;
	[tilespmem:$0x2080] =	vst v63  }
0x36: {  	_ =	swait.ge [sflag:s20], $0x2000  }
0x37: {  	p0 =	sne.s32 s14, $0x1;
	[sflag:s20] =	ssyncset.done $0x0  }
.Ltmp0:
0x38: {  	[sflag:s20] =	ssyncadd.s32 $0xFFFFE000;
	(pc) =	sbr.rel @p0 .LBB2_1-.Ltmp0, $4  }
0x39: {  	[hbm4b:s13+s4] =	stream.linear.scatter [tilespmem:s16], [sflag:$0x2], $0x2000, $0x38;
	[tilespmem:$0x2080] =	vst v63  }
0x3a: {  	_ =	swait.ge [sflag:s15], $0x2000  }
0x3b: {  	[sflag:s15] =	ssyncset.done $0x0  }
0x3c: {  	s14 =	sadd.s32 $0xFFFFFFFF, s14;
	[sflag:s15] =	ssyncadd.s32 $0xFFFFE000  }
0x3d: {  	_ =	sfence.sel $0x180000  }
0x3e: {  	[bflag:$0x0] =	sbarrier.arrive $0xFFFF  }
0x3f: {  	p0 =	sne.s32 s3, $0x0;
	_ =	strace $0x90000047  }
0x40: {  	s0 =	sadd.s32 @!p0 $0x100000, s0;
	[bflag:$0x2] =	sbarrier.arrive $0xFFFF  }
0x41: {  	[sflag:s0] =	ssyncadd.tile.s32 @!p0 $0x1;
	_ =	shalt  }
.Lfunc_end2:
_tile_overlayer_lowered:
.L_overlay_start_2:
0x42: {  	(tag) =	ssettag $0x2  }
0x43: {  	s0 =	rddreg [dreg:$0x0];
	s2 =	stileid.u32  }
0x44: {  	s1 =	rddreg [dreg:$0x1];
	p0 =	sne.s32 s2, $0x0  }
0x45: {  	s3 =	rddreg [dreg:$0x2];
	[bflag:$0x3] =	sbarrier.arrive $0xFFFF;
	s2 =	simm.s32 @!p0 $0x1C02  }
0x46: {  	[timem:s3], [sflag:s2] =	dma.local @!p0 [hbm:s0], s1  }
0x47: {  	s0 =	simm.s32 @!p0 $0x2  }
0x48: {  	_ =	swait.ge @!p0 [sflag:s0], s1  }
0x49: {  	s1 =	ssub.s32 @!p0 $0x0, s1;
	[sflag:s0] =	ssyncset.done @!p0 $0x0  }
0x4a: {  	[sflag:s0] =	ssyncadd.s32 @!p0 s1  }
0x4b: {  	[bflag:$0x3] =	sbarrier.arrive $0xFFFF  }
0x4c: {  	_ =	shalt  }

</sc_bundles>
